<compile_context>
chip_gen: v7x
topology: tpu7x:2x2x1
jax: 0.10.2.dev20260603
libtpu: 0.0.44.dev20260713+nightly
codegen_flags: <defaults>
</compile_context>

<pallas_src>
import functools

import jax
import jax.numpy as jnp
from jax import lax
from jax.experimental import pallas as pl
from jax.experimental.pallas import tpu as pltpu
from jax.experimental.pallas import tpu_sc as plsc

NUM_EMBEDDING = 1024
EMBEDDING_DIM = 64
COMMITMENT = 1.0

BT = 2048
SC_CHUNKS = 1


def _tc_body(x_ref, cb_ref, dist_ref, enc_ref, sum_ref):
    pid = pl.program_id(0)
    x = x_ref[...]
    c = cb_ref[...]
    xc = lax.dot_general(x, c, (((1,), (1,)), ((), ())),
                         preferred_element_type=jnp.float32)
    x2 = jnp.sum(x * x, axis=1, keepdims=True)
    c2 = jnp.sum(c * c, axis=1)[None, :]
    dist = x2 + c2 - 2.0 * xc
    dist_ref[...] = dist

    d3 = dist.reshape(x_ref.shape[0], 8, NUM_EMBEDDING // 8)
    minv = d3[:, 0, :]
    mini = jnp.zeros_like(minv)
    for a in range(1, 8):
        ca = d3[:, a, :]
        mini = jnp.where(ca < minv, float(a), mini)
        minv = jnp.minimum(ca, minv)
    mind = jnp.min(minv, axis=1)
    b_iota = lax.broadcasted_iota(
        jnp.int32, minv.shape, 1).astype(jnp.float32)
    keyf = jnp.where(minv == mind[:, None],
                     mini * float(NUM_EMBEDDING // 8) + b_iota,
                     float(NUM_EMBEDDING))
    enc_ref[...] = jnp.min(keyf, axis=1).astype(jnp.int32)

    acc = sum_ref[...]
    prev = jnp.where(pid == 0, jnp.zeros_like(acc), acc)
    sum_ref[...] = prev + jnp.sum(mind)


def _tc_body_alias(x_ref, cb_ref, dist_in_ref, dist_ref, enc_ref, sum_ref):
    del dist_in_ref
    _tc_body(x_ref, cb_ref, dist_ref, enc_ref, sum_ref)


def _tc_chunk(flat, codebook, dist_prev, base_blocks, nblocks):
    n_tok = flat.shape[0]
    x_spec = pl.BlockSpec((BT, EMBEDDING_DIM),
                          lambda i: (i + base_blocks, 0))
    cb_spec = pl.BlockSpec((NUM_EMBEDDING, EMBEDDING_DIM), lambda i: (0, 0))
    out_specs = [
        pl.BlockSpec((BT, NUM_EMBEDDING), lambda i: (i + base_blocks, 0)),
        pl.BlockSpec((BT,), lambda i: (i,)),
        pl.BlockSpec((1, 1), lambda i: (0, 0)),
    ]
    out_shape = [
        jax.ShapeDtypeStruct((n_tok, NUM_EMBEDDING), jnp.float32),
        jax.ShapeDtypeStruct((nblocks * BT,), jnp.int32),
        jax.ShapeDtypeStruct((1, 1), jnp.float32),
    ]
    if dist_prev is None:
        return pl.pallas_call(
            _tc_body,
            grid=(nblocks,),
            in_specs=[x_spec, cb_spec],
            out_specs=out_specs,
            out_shape=out_shape,
        )(flat, codebook)
    return pl.pallas_call(
        _tc_body_alias,
        grid=(nblocks,),
        in_specs=[x_spec, cb_spec, pl.BlockSpec(memory_space=pl.ANY)],
        out_specs=out_specs,
        out_shape=out_shape,
        input_output_aliases={2: 0},
    )(flat, codebook, dist_prev)


def _sc_gather(codebook, enc, out_shape3):
    info = plsc.get_sparse_core_info()
    nc, ns = info.num_cores, info.num_subcores
    nw = nc * ns
    n_gather = enc.shape[0]
    b_per_w = n_gather // nw
    seq = out_shape3[1]
    rows_per_w = b_per_w // seq
    mesh = plsc.VectorSubcoreMesh(core_axis_name="c", subcore_axis_name="s")

    @functools.partial(
        pl.kernel,
        mesh=mesh,
        compiler_params=pltpu.CompilerParams(use_tc_tiling_on_sc=False),
        out_type=jax.ShapeDtypeStruct(out_shape3, jnp.float32),
        scratch_types=[
            pltpu.VMEM((b_per_w,), jnp.int32),
            pltpu.VMEM((b_per_w, EMBEDDING_DIM), jnp.float32),
            pltpu.SemaphoreType.DMA,
        ],
    )
    def gather_k(table_hbm, idx_hbm, out_hbm, idx_v, rows_v, sem):
        wid = lax.axis_index("s") * nc + lax.axis_index("c")
        base = wid * b_per_w
        pltpu.sync_copy(idx_hbm.at[pl.ds(base, b_per_w)], idx_v)
        pltpu.async_copy(table_hbm.at[idx_v], rows_v, sem).wait()
        if rows_per_w >= 1:
            b0 = base // seq
            pltpu.sync_copy(
                rows_v.reshape(rows_per_w, seq, EMBEDDING_DIM),
                out_hbm.at[pl.ds(b0, rows_per_w)])
        else:
            b0, r0 = base // seq, base % seq
            pltpu.sync_copy(rows_v, out_hbm.at[b0, pl.ds(r0, b_per_w)])

    return gather_k(codebook, enc)


def kernel(input, codebook):
    x = input
    flat = x.reshape(-1, EMBEDDING_DIM)
    n_tok = flat.shape[0]
    nblocks = n_tok // BT

    dist, enc, s = _tc_chunk(flat, codebook, None, 0, nblocks)

    per_tok = n_tok // SC_CHUNKS
    per_batch = x.shape[0] // SC_CHUNKS
    qs = []
    for j in range(SC_CHUNKS):
        enc_j = lax.slice_in_dim(enc, j * per_tok, (j + 1) * per_tok)
        if qs:
            enc_j = lax.optimization_barrier((enc_j, qs[-1]))[0]
        qs.append(_sc_gather(codebook, enc_j,
                             (per_batch,) + x.shape[1:]))

    loss = s[0, 0] * ((1.0 + COMMITMENT) / (n_tok * EMBEDDING_DIM))
    quantized = jnp.concatenate(qs) if SC_CHUNKS > 1 else qs[0]
    quantized_st = quantized
    return (quantized_st, enc, dist, loss)

# --- scband reference (transcript-rebuilt; emitter-appended) ---
"""Pipeline reference for scband-quantization-cell-82617990906043 (READ-ONLY COPY).

The authoritative reference and input builder live on the scoring server;
editing this copy changes nothing except your own understanding.
"""

import jax, jax.numpy as jnp
import numpy as np

NUM_EMBEDDING = 1024
EMBEDDING_DIM = 64
COMMITMENT = 1.0


def setup_inputs(seed: int = 0) -> dict:
    key = jax.random.key(seed)
    k1, k2 = jax.random.split(key)
    x = jax.random.normal(k1, (16, 1024, 64), dtype=jnp.float32)
    codebook = jax.random.normal(k2, (NUM_EMBEDDING, EMBEDDING_DIM), dtype=jnp.float32)
    return {"input": x, "codebook": codebook}


def reference(input, codebook):
    x = input
    flat = x.reshape(-1, EMBEDDING_DIM)
    # squared L2 distances to every codebook entry: [N_tokens, K]
    distances = (jnp.sum(flat ** 2, axis=1, keepdims=True)
                 + jnp.sum(codebook ** 2, axis=1)[None, :]
                 - 2.0 * (flat @ codebook.T))
    encoding = jnp.argmin(distances, axis=1)
    quantized = jnp.take(codebook, encoding, axis=0).reshape(x.shape)
    # VQ-VAE loss (non-EMA): codebook loss + commitment * encoder loss
    e_latent_loss = jnp.mean((jax.lax.stop_gradient(quantized) - x) ** 2)
    q_latent_loss = jnp.mean((quantized - jax.lax.stop_gradient(x)) ** 2)
    loss = q_latent_loss + COMMITMENT * e_latent_loss
    # straight-through estimator
    quantized_st = x + jax.lax.stop_gradient(quantized - x)
    return (quantized_st, encoding, distances, loss)

if __name__ == "__main__":
    import jax
    _d = setup_inputs()
    print(jax.jit(kernel)(*tuple(_d.values())))

</pallas_src>

<mosaic_0001>
#map = affine_map<(d0, d1) -> (0, 0)>
#map1 = affine_map<(d0, d1) -> (0)>
#map2 = affine_map<(d0, d1) -> (0, 0, 0)>
module attributes {stable_mosaic.version = 14 : i64} {
  func.func @gather_k(%arg0: i32, %arg1: i32, %arg2: memref<1024x64xf32, #tpu.memory_space<hbm>>, %arg3: memref<16384xi32, #tpu.memory_space<hbm>>, %arg4: memref<16x1024x64xf32, #tpu.memory_space<hbm>>, %arg5: memref<512xi32, #tpu.memory_space<vmem>>, %arg6: memref<512x64xf32, #tpu.memory_space<vmem>>, %arg7: memref<!tpu.dma_semaphore, #tpu.memory_space<semaphore_mem>>) attributes {dimension_semantics = [#tpu.dimension_semantics<core_parallel>, #tpu.dimension_semantics<subcore_parallel>], iteration_bounds = array<i64: 2, 16>, scalar_prefetch = 0 : i64, scratch_operands = 3 : i64, tpu.core_type = #tpu.core_type<sc_vector_subcore>, window_params = [{transform_indices = #map}, {transform_indices = #map1}, {transform_indices = #map2}]} {
    %mul3A = arith.constant 2 : i32
    %mul3A_0 = arith.muli %arg1, %mul3A : i32
    %add3A = arith.addi %mul3A_0, %arg0 : i32
    %mul3A_1 = arith.constant 512 : i32
    %mul3A_2 = arith.muli %add3A, %mul3A_1 : i32
    "tpu.region"() ({
      %run_scoped3A = tpu.sem_alloc : memref<!tpu.dma_semaphore, #tpu.memory_space<semaphore_mem>>
      %dma_start3A_37 = tpu.memref_slice %arg3[%mul3A_2] : memref<16384xi32, #tpu.memory_space<hbm>> -> memref<512xi32, #tpu.memory_space<hbm>>
      %dma_start3A_38 = tpu.memref_slice %arg3[%mul3A_2] : memref<16384xi32, #tpu.memory_space<hbm>> -> memref<512xi32, #tpu.memory_space<hbm>>
      tpu.enqueue_dma source(%dma_start3A_38 : memref<512xi32, #tpu.memory_space<hbm>>) target(%arg5 : memref<512xi32, #tpu.memory_space<vmem>>) target_semaphore(%run_scoped3A : memref<!tpu.dma_semaphore, #tpu.memory_space<semaphore_mem>>)
      %dma_wait3A_39 = tpu.memref_slice %arg3[%mul3A_2] : memref<16384xi32, #tpu.memory_space<hbm>> -> memref<512xi32, #tpu.memory_space<hbm>>
      %dma_wait3A_40 = tpu.memref_slice %arg3[%mul3A_2] : memref<16384xi32, #tpu.memory_space<hbm>> -> memref<512xi32, #tpu.memory_space<hbm>>
      tpu.wait_dma2 semaphore(%run_scoped3A : memref<!tpu.dma_semaphore, #tpu.memory_space<semaphore_mem>>) src(%dma_wait3A_40 : memref<512xi32, #tpu.memory_space<hbm>>) dst(%arg5 : memref<512xi32, #tpu.memory_space<vmem>>)
      tpu.yield
    }) : () -> ()
    %dma_start3A = arith.constant 0 : i32
    %dma_start3A_3 = arith.constant 0 : i32
    %dma_start3A_4 = tpu.memref_slice %arg2[%dma_start3A, %dma_start3A_3] : memref<1024x64xf32, #tpu.memory_space<hbm>> -> memref<1024x64xf32, #tpu.memory_space<hbm>>
    tpu.enqueue_indirect_dma source(%dma_start3A_4 : memref<1024x64xf32, #tpu.memory_space<hbm>>) target(%arg6 : memref<512x64xf32, #tpu.memory_space<vmem>>) offsets(%arg5 : memref<512xi32, #tpu.memory_space<vmem>>) semaphore(%arg7 : memref<!tpu.dma_semaphore, #tpu.memory_space<semaphore_mem>>)
    %dma_wait3A = arith.constant 0 : i32
    %dma_wait3A_5 = arith.constant 0 : i32
    %dma_wait3A_6 = tpu.memref_slice %arg2[%dma_wait3A, %dma_wait3A_5] : memref<1024x64xf32, #tpu.memory_space<hbm>> -> memref<1024x64xf32, #tpu.memory_space<hbm>>
    tpu.wait_indirect_dma semaphore(%arg7 : memref<!tpu.dma_semaphore, #tpu.memory_space<semaphore_mem>>) src(%dma_wait3A_6 : memref<1024x64xf32, #tpu.memory_space<hbm>>) dst(%arg6 : memref<512x64xf32, #tpu.memory_space<vmem>>)
    %jit3A = arith.constant 1024 : i32
    %div3A = arith.divsi %mul3A_2, %jit3A : i32
    %sign3A = arith.constant 0 : i32
    %sign3A_7 = arith.cmpi sgt, %mul3A_2, %sign3A : i32
    %sign3A_8 = arith.extui %sign3A_7 : i1 to i32
    %sign3A_9 = arith.constant 0 : i32
    %sign3A_10 = arith.cmpi slt, %mul3A_2, %sign3A_9 : i32
    %sign3A_11 = arith.extui %sign3A_10 : i1 to i32
    %sign3A_12 = arith.subi %sign3A_8, %sign3A_11 : i32
    %sign3A_13 = arith.constant 0 : i32
    %sign3A_14 = arith.cmpi sgt, %jit3A, %sign3A_13 : i32
    %sign3A_15 = arith.extui %sign3A_14 : i1 to i32
    %sign3A_16 = arith.constant 0 : i32
    %sign3A_17 = arith.cmpi slt, %jit3A, %sign3A_16 : i32
    %sign3A_18 = arith.extui %sign3A_17 : i1 to i32
    %sign3A_19 = arith.subi %sign3A_15, %sign3A_18 : i32
    %ne3A = arith.cmpi ne, %sign3A_12, %sign3A_19 : i32
    %rem3A = arith.remsi %mul3A_2, %jit3A : i32
    %ne3A_20 = arith.constant 0 : i32
    %ne3A_21 = arith.cmpi ne, %rem3A, %ne3A_20 : i32
    %and3A = arith.andi %ne3A, %ne3A_21 : i1
    %sub3A = arith.constant 1 : i32
    %sub3A_22 = arith.subi %div3A, %sub3A : i32
    %select_n3A = arith.select %and3A, %sub3A_22, %div3A : i32
    %jit3A_23 = arith.constant 1024 : i32
    %eq3A = arith.constant 0 : i32
    %eq3A_24 = arith.cmpi eq, %jit3A_23, %eq3A : i32
    %jit3A_25 = arith.constant 1 : i32
    %select_n3A_26 = arith.select %eq3A_24, %jit3A_25, %jit3A_23 : i32
    %rem3A_27 = arith.remsi %mul3A_2, %select_n3A_26 : i32
    %ne3A_28 = arith.constant 0 : i32
    %ne3A_29 = arith.cmpi ne, %rem3A_27, %ne3A_28 : i32
    %lt3A = arith.constant 0 : i32
    %lt3A_30 = arith.cmpi slt, %rem3A_27, %lt3A : i32
    %lt3A_31 = arith.constant 0 : i32
    %lt3A_32 = arith.cmpi slt, %select_n3A_26, %lt3A_31 : i32
    %ne3A_33 = arith.xori %lt3A_30, %lt3A_32 : i1
    %and3A_34 = arith.andi %ne3A_33, %ne3A_29 : i1
    %add3A_35 = arith.addi %rem3A_27, %select_n3A_26 : i32
    %select_n3A_36 = arith.select %and3A_34, %add3A_35, %rem3A_27 : i32
    "tpu.region"() ({
      %run_scoped3A = tpu.sem_alloc : memref<!tpu.dma_semaphore, #tpu.memory_space<semaphore_mem>>
      %dma_start3A_37 = arith.constant 0 : i32
      %dma_start3A_38 = tpu.memref_slice %arg4[%select_n3A, %select_n3A_36, %dma_start3A_37] : memref<16x1024x64xf32, #tpu.memory_space<hbm>> -> memref<1x512x64xf32, #tpu.memory_space<hbm>>
      %dma_start3A_39 = tpu.memref_squeeze %dma_start3A_38 : memref<1x512x64xf32, #tpu.memory_space<hbm>> -> memref<512x64xf32, #tpu.memory_space<hbm>>
      %dma_start3A_40 = arith.constant 0 : i32
      %dma_start3A_41 = tpu.memref_slice %arg4[%select_n3A, %select_n3A_36, %dma_start3A_40] : memref<16x1024x64xf32, #tpu.memory_space<hbm>> -> memref<1x512x64xf32, #tpu.memory_space<hbm>>
      %dma_start3A_42 = tpu.memref_squeeze %dma_start3A_41 : memref<1x512x64xf32, #tpu.memory_space<hbm>> -> memref<512x64xf32, #tpu.memory_space<hbm>>
      tpu.enqueue_dma source(%arg6 : memref<512x64xf32, #tpu.memory_space<vmem>>) target(%dma_start3A_42 : memref<512x64xf32, #tpu.memory_space<hbm>>) target_semaphore(%run_scoped3A : memref<!tpu.dma_semaphore, #tpu.memory_space<semaphore_mem>>)
      %dma_wait3A_43 = arith.constant 0 : i32
      %dma_wait3A_44 = tpu.memref_slice %arg4[%select_n3A, %select_n3A_36, %dma_wait3A_43] : memref<16x1024x64xf32, #tpu.memory_space<hbm>> -> memref<1x512x64xf32, #tpu.memory_space<hbm>>
      %dma_wait3A_45 = tpu.memref_squeeze %dma_wait3A_44 : memref<1x512x64xf32, #tpu.memory_space<hbm>> -> memref<512x64xf32, #tpu.memory_space<hbm>>
      %dma_wait3A_46 = arith.constant 0 : i32
      %dma_wait3A_47 = tpu.memref_slice %arg4[%select_n3A, %select_n3A_36, %dma_wait3A_46] : memref<16x1024x64xf32, #tpu.memory_space<hbm>> -> memref<1x512x64xf32, #tpu.memory_space<hbm>>
      %dma_wait3A_48 = tpu.memref_squeeze %dma_wait3A_47 : memref<1x512x64xf32, #tpu.memory_space<hbm>> -> memref<512x64xf32, #tpu.memory_space<hbm>>
      tpu.wait_dma2 semaphore(%run_scoped3A : memref<!tpu.dma_semaphore, #tpu.memory_space<semaphore_mem>>) src(%arg6 : memref<512x64xf32, #tpu.memory_space<vmem>>) dst(%dma_wait3A_48 : memref<512x64xf32, #tpu.memory_space<hbm>>)
      tpu.yield
    }) : () -> ()
    return
  }
}

module attributes {stable_mosaic.version = 14 : i64} {
  func.func @_tc_body(%arg0: i32, %arg1: memref<2048x64xf32, #tpu.memory_space<vmem>>, %arg2: memref<1024x64xf32, #tpu.memory_space<vmem>>, %arg3: memref<2048x1024xf32, #tpu.memory_space<vmem>>, %arg4: memref<2048xi32, #tpu.memory_space<vmem>>, %arg5: memref<1x1xf32, #tpu.memory_space<vmem>>) attributes {dimension_semantics = [#tpu.dimension_semantics<arbitrary>], iteration_bounds = array<i64: 8>, scalar_prefetch = 0 : i64, scratch_operands = 0 : i64, tpu.core_type = #tpu.core_type<tc>, window_params = [{transform_indices = @transform_0, window_bounds = array<i64: 2048, 64>}, {pipeline_mode = #tpu.pipeline_mode<synchronous>, transform_indices = @transform_1, window_bounds = array<i64: 1024, 64>}, {transform_indices = @transform_2, window_bounds = array<i64: 2048, 1024>}, {transform_indices = @transform_3, window_bounds = array<i64: 2048>}, {pipeline_mode = #tpu.pipeline_mode<synchronous>, transform_indices = @transform_4, window_bounds = array<i64: 1, 1>}]} {
    %get3A = arith.constant 0 : index
    %get3A_0 = arith.constant 0 : index
    %get3A_1 = vector.load %arg1[%get3A, %get3A_0] : memref<2048x64xf32, #tpu.memory_space<vmem>>, vector<2048x64xf32>
    %get3A_2 = arith.constant 0 : index
    %get3A_3 = arith.constant 0 : index
    %get3A_4 = vector.load %arg2[%get3A_2, %get3A_3] : memref<1024x64xf32, #tpu.memory_space<vmem>>, vector<1024x64xf32>
    %dot_general3A = arith.constant dense<0.000000e+00> : vector<2048x1024xf32>
    %dot_general3A_5 = tpu.matmul %get3A_1, %get3A_4, %dot_general3A {dimension_numbers = #tpu.dot_dimension_numbers<[1], [1], [0], [0], [0, 0, 1, 0], [], []>, transpose_lhs_hint = false} : vector<2048x64xf32>, vector<1024x64xf32>, vector<2048x1024xf32> -> vector<2048x1024xf32>
    %mul3A = arith.mulf %get3A_1, %get3A_1 : vector<2048x64xf32>
    %reduce_sum3A = arith.constant dense<0.000000e+00> : vector<2048xf32>
    %reduce_sum3A_6 = vector.multi_reduction <add>, %mul3A, %reduce_sum3A [1] : vector<2048x64xf32> to vector<2048xf32>
    %broadcast_in_dim3A = vector.shape_cast %reduce_sum3A_6 : vector<2048xf32> to vector<2048x1xf32>
    %mul3A_7 = arith.mulf %get3A_4, %get3A_4 : vector<1024x64xf32>
    %reduce_sum3A_8 = arith.constant dense<0.000000e+00> : vector<1024xf32>
    %reduce_sum3A_9 = vector.multi_reduction <add>, %mul3A_7, %reduce_sum3A_8 [1] : vector<1024x64xf32> to vector<1024xf32>
    %broadcast_in_dim3A_10 = vector.shape_cast %reduce_sum3A_9 : vector<1024xf32> to vector<1x1024xf32>
    %add3A = vector.broadcast %broadcast_in_dim3A : vector<2048x1xf32> to vector<2048x1024xf32>
    %add3A_11 = vector.broadcast %broadcast_in_dim3A_10 : vector<1x1024xf32> to vector<2048x1024xf32>
    %add3A_12 = arith.addf %add3A, %add3A_11 : vector<2048x1024xf32>
    %mul3A_13 = arith.constant 2.000000e+00 : f32
    %mul3A_14 = vector.broadcast %mul3A_13 : f32 to vector<2048x1024xf32>
    %mul3A_15 = arith.mulf %mul3A_14, %dot_general3A_5 : vector<2048x1024xf32>
    %sub3A = arith.subf %add3A_12, %mul3A_15 : vector<2048x1024xf32>
    %swap3A = arith.constant 0 : index
    %swap3A_16 = arith.constant 0 : index
    %swap3A_17 = vector.load %arg3[%swap3A, %swap3A_16] : memref<2048x1024xf32, #tpu.memory_space<vmem>>, vector<2048x1024xf32>
    tpu.vector_store %arg3[%swap3A, %swap3A_16], %sub3A {strides = array<i32>} : memref<2048x1024xf32, #tpu.memory_space<vmem>>, vector<2048x1024xf32>,
    %reshape3A = vector.shape_cast %sub3A : vector<2048x1024xf32> to vector<2048x8x128xf32>
    %slice3A = vector.extract_strided_slice %reshape3A {offsets = [0, 0, 0], sizes = [2048, 1, 128], strides = [1, 1, 1]} : vector<2048x8x128xf32> to vector<2048x1x128xf32>
    %squeeze3A = vector.shape_cast %slice3A : vector<2048x1x128xf32> to vector<2048x128xf32>
    %broadcast_in_dim3A_18 = arith.constant 0.000000e+00 : f32
    %broadcast_in_dim3A_19 = vector.broadcast %broadcast_in_dim3A_18 : f32 to vector<2048x128xf32>
    %slice3A_20 = vector.extract_strided_slice %reshape3A {offsets = [0, 1, 0], sizes = [2048, 1, 128], strides = [1, 1, 1]} : vector<2048x8x128xf32> to vector<2048x1x128xf32>
    %squeeze3A_21 = vector.shape_cast %slice3A_20 : vector<2048x1x128xf32> to vector<2048x128xf32>
    %lt3A = arith.cmpf olt, %squeeze3A_21, %squeeze3A : vector<2048x128xf32>
    %jit3A = arith.constant 1.000000e+00 : f32
    %broadcast_in_dim3A_22 = vector.broadcast %jit3A : f32 to vector<2048x128xf32>
    %select_n3A = arith.select %lt3A, %broadcast_in_dim3A_22, %broadcast_in_dim3A_19 : vector<2048x128xi1>, vector<2048x128xf32>
    %min3A = arith.minimumf %squeeze3A_21, %squeeze3A : vector<2048x128xf32>
    %slice3A_23 = vector.extract_strided_slice %reshape3A {offsets = [0, 2, 0], sizes = [2048, 1, 128], strides = [1, 1, 1]} : vector<2048x8x128xf32> to vector<2048x1x128xf32>
    %squeeze3A_24 = vector.shape_cast %slice3A_23 : vector<2048x1x128xf32> to vector<2048x128xf32>
    %lt3A_25 = arith.cmpf olt, %squeeze3A_24, %min3A : vector<2048x128xf32>
    %jit3A_26 = arith.constant 2.000000e+00 : f32
    %broadcast_in_dim3A_27 = vector.broadcast %jit3A_26 : f32 to vector<2048x128xf32>
    %select_n3A_28 = arith.select %lt3A_25, %broadcast_in_dim3A_27, %select_n3A : vector<2048x128xi1>, vector<2048x128xf32>
    %min3A_29 = arith.minimumf %squeeze3A_24, %min3A : vector<2048x128xf32>
    %slice3A_30 = vector.extract_strided_slice %reshape3A {offsets = [0, 3, 0], sizes = [2048, 1, 128], strides = [1, 1, 1]} : vector<2048x8x128xf32> to vector<2048x1x128xf32>
    %squeeze3A_31 = vector.shape_cast %slice3A_30 : vector<2048x1x128xf32> to vector<2048x128xf32>
    %lt3A_32 = arith.cmpf olt, %squeeze3A_31, %min3A_29 : vector<2048x128xf32>
    %jit3A_33 = arith.constant 3.000000e+00 : f32
    %broadcast_in_dim3A_34 = vector.broadcast %jit3A_33 : f32 to vector<2048x128xf32>
    %select_n3A_35 = arith.select %lt3A_32, %broadcast_in_dim3A_34, %select_n3A_28 : vector<2048x128xi1>, vector<2048x128xf32>
    %min3A_36 = arith.minimumf %squeeze3A_31, %min3A_29 : vector<2048x128xf32>
    %slice3A_37 = vector.extract_strided_slice %reshape3A {offsets = [0, 4, 0], sizes = [2048, 1, 128], strides = [1, 1, 1]} : vector<2048x8x128xf32> to vector<2048x1x128xf32>
    %squeeze3A_38 = vector.shape_cast %slice3A_37 : vector<2048x1x128xf32> to vector<2048x128xf32>
    %lt3A_39 = arith.cmpf olt, %squeeze3A_38, %min3A_36 : vector<2048x128xf32>
    %jit3A_40 = arith.constant 4.000000e+00 : f32
    %broadcast_in_dim3A_41 = vector.broadcast %jit3A_40 : f32 to vector<2048x128xf32>
    %select_n3A_42 = arith.select %lt3A_39, %broadcast_in_dim3A_41, %select_n3A_35 : vector<2048x128xi1>, vector<2048x128xf32>
    %min3A_43 = arith.minimumf %squeeze3A_38, %min3A_36 : vector<2048x128xf32>
    %slice3A_44 = vector.extract_strided_slice %reshape3A {offsets = [0, 5, 0], sizes = [2048, 1, 128], strides = [1, 1, 1]} : vector<2048x8x128xf32> to vector<2048x1x128xf32>
    %squeeze3A_45 = vector.shape_cast %slice3A_44 : vector<2048x1x128xf32> to vector<2048x128xf32>
    %lt3A_46 = arith.cmpf olt, %squeeze3A_45, %min3A_43 : vector<2048x128xf32>
    %jit3A_47 = arith.constant 5.000000e+00 : f32
    %broadcast_in_dim3A_48 = vector.broadcast %jit3A_47 : f32 to vector<2048x128xf32>
    %select_n3A_49 = arith.select %lt3A_46, %broadcast_in_dim3A_48, %select_n3A_42 : vector<2048x128xi1>, vector<2048x128xf32>
    %min3A_50 = arith.minimumf %squeeze3A_45, %min3A_43 : vector<2048x128xf32>
    %slice3A_51 = vector.extract_strided_slice %reshape3A {offsets = [0, 6, 0], sizes = [2048, 1, 128], strides = [1, 1, 1]} : vector<2048x8x128xf32> to vector<2048x1x128xf32>
    %squeeze3A_52 = vector.shape_cast %slice3A_51 : vector<2048x1x128xf32> to vector<2048x128xf32>
    %lt3A_53 = arith.cmpf olt, %squeeze3A_52, %min3A_50 : vector<2048x128xf32>
    %jit3A_54 = arith.constant 6.000000e+00 : f32
    %broadcast_in_dim3A_55 = vector.broadcast %jit3A_54 : f32 to vector<2048x128xf32>
    %select_n3A_56 = arith.select %lt3A_53, %broadcast_in_dim3A_55, %select_n3A_49 : vector<2048x128xi1>, vector<2048x128xf32>
    %min3A_57 = arith.minimumf %squeeze3A_52, %min3A_50 : vector<2048x128xf32>
    %slice3A_58 = vector.extract_strided_slice %reshape3A {offsets = [0, 7, 0], sizes = [2048, 1, 128], strides = [1, 1, 1]} : vector<2048x8x128xf32> to vector<2048x1x128xf32>
    %squeeze3A_59 = vector.shape_cast %slice3A_58 : vector<2048x1x128xf32> to vector<2048x128xf32>
    %lt3A_60 = arith.cmpf olt, %squeeze3A_59, %min3A_57 : vector<2048x128xf32>
    %jit3A_61 = arith.constant 7.000000e+00 : f32
    %broadcast_in_dim3A_62 = vector.broadcast %jit3A_61 : f32 to vector<2048x128xf32>
    %select_n3A_63 = arith.select %lt3A_60, %broadcast_in_dim3A_62, %select_n3A_56 : vector<2048x128xi1>, vector<2048x128xf32>
    %min3A_64 = arith.minimumf %squeeze3A_59, %min3A_57 : vector<2048x128xf32>
    %reduce_min3A = arith.constant dense<0x7F800000> : vector<2048xf32>
    %reduce_min3A_65 = vector.multi_reduction <minimumf>, %min3A_64, %reduce_min3A [1] : vector<2048x128xf32> to vector<2048xf32>
    %iota3A = tpu.iota {dimensions = array<i32: 1>} : vector<2048x128xi32>
    %convert_element_type3A = arith.sitofp %iota3A : vector<2048x128xi32> to vector<2048x128xf32>
    %broadcast_in_dim3A_66 = vector.shape_cast %reduce_min3A_65 : vector<2048xf32> to vector<2048x1xf32>
    %eq3A = vector.broadcast %broadcast_in_dim3A_66 : vector<2048x1xf32> to vector<2048x128xf32>
    %eq3A_67 = arith.cmpf oeq, %min3A_64, %eq3A : vector<2048x128xf32>
    %mul3A_68 = arith.constant 1.280000e+02 : f32
    %mul3A_69 = vector.broadcast %mul3A_68 : f32 to vector<2048x128xf32>
    %mul3A_70 = arith.mulf %select_n3A_63, %mul3A_69 : vector<2048x128xf32>
    %add3A_71 = arith.addf %mul3A_70, %convert_element_type3A : vector<2048x128xf32>
    %jit3A_72 = arith.constant 1.024000e+03 : f32
    %broadcast_in_dim3A_73 = vector.broadcast %jit3A_72 : f32 to vector<2048x128xf32>
    %select_n3A_74 = arith.select %eq3A_67, %add3A_71, %broadcast_in_dim3A_73 : vector<2048x128xi1>, vector<2048x128xf32>
    %reduce_min3A_75 = arith.constant dense<0x7F800000> : vector<2048xf32>
    %reduce_min3A_76 = vector.multi_reduction <minimumf>, %select_n3A_74, %reduce_min3A_75 [1] : vector<2048x128xf32> to vector<2048xf32>
    %convert_element_type3A_77 = arith.fptosi %reduce_min3A_76 : vector<2048xf32> to vector<2048xi32>
    %swap3A_78 = arith.constant 0 : index
    %swap3A_79 = vector.load %arg4[%swap3A_78] : memref<2048xi32, #tpu.memory_space<vmem>>, vector<2048xi32>
    tpu.vector_store %arg4[%swap3A_78], %convert_element_type3A_77 {strides = array<i32>} : memref<2048xi32, #tpu.memory_space<vmem>>, vector<2048xi32>,
    %get3A_80 = arith.constant 0 : index
    %get3A_81 = arith.constant 0 : index
    %get3A_82 = vector.load %arg5[%get3A_80, %get3A_81] : memref<1x1xf32, #tpu.memory_space<vmem>>, vector<1x1xf32>
    %eq3A_83 = arith.constant 0 : i32
    %eq3A_84 = arith.cmpi eq, %arg0, %eq3A_83 : i32
    %broadcast_in_dim3A_85 = arith.constant 0.000000e+00 : f32
    %broadcast_in_dim3A_86 = vector.broadcast %broadcast_in_dim3A_85 : f32 to vector<1x1xf32>
    %select_n3A_87 = arith.select %eq3A_84, %broadcast_in_dim3A_86, %get3A_82 : vector<1x1xf32>
    %reduce_sum3A_88 = vector.shape_cast %reduce_min3A_65 : vector<2048xf32> to vector<1x2048xf32>
    %reduce_sum3A_89 = arith.constant dense<0.000000e+00> : vector<1xf32>
    %reduce_sum3A_90 = vector.multi_reduction <add>, %reduce_sum3A_88, %reduce_sum3A_89 [1] : vector<1x2048xf32> to vector<1xf32>
    %reduce_sum3A_91 = vector.shape_cast %reduce_sum3A_90 : vector<1xf32> to vector<1x1xf32>
    %reduce_sum3A_92 = vector.extract %reduce_sum3A_91[0, 0] : f32 from vector<1x1xf32>
    %add3A_93 = vector.broadcast %reduce_sum3A_92 : f32 to vector<1x1xf32>
    %add3A_94 = arith.addf %select_n3A_87, %add3A_93 : vector<1x1xf32>
    %swap3A_95 = arith.constant 0 : index
    %swap3A_96 = arith.constant 0 : index
    %swap3A_97 = vector.load %arg5[%swap3A_95, %swap3A_96] : memref<1x1xf32, #tpu.memory_space<vmem>>, vector<1x1xf32>
    tpu.vector_store %arg5[%swap3A_95, %swap3A_96], %add3A_94 {strides = array<i32>} : memref<1x1xf32, #tpu.memory_space<vmem>>, vector<1x1xf32>,
    return
  }
  func.func @transform_0(%arg0: i32) -> (i32, i32) {
    %add3A = arith.constant 0 : i32
    %add3A_0 = arith.addi %arg0, %add3A : i32
    %c0_i32 = arith.constant 0 : i32
    %c0_i32_1 = arith.constant 0 : i32
    return %add3A_0, %c0_i32 : i32, i32
  }
  func.func @transform_1(%arg0: i32) -> (i32, i32) {
    %c0_i32 = arith.constant 0 : i32
    %c0_i32_0 = arith.constant 0 : i32
    %c0_i32_1 = arith.constant 0 : i32
    return %c0_i32, %c0_i32_0 : i32, i32
  }
  func.func @transform_2(%arg0: i32) -> (i32, i32) {
    %add3A = arith.constant 0 : i32
    %add3A_0 = arith.addi %arg0, %add3A : i32
    %c0_i32 = arith.constant 0 : i32
    %c0_i32_1 = arith.constant 0 : i32
    return %add3A_0, %c0_i32 : i32, i32
  }
  func.func @transform_3(%arg0: i32) -> i32 {
    %c0_i32 = arith.constant 0 : i32
    return %arg0 : i32
  }
  func.func @transform_4(%arg0: i32) -> (i32, i32) {
    %c0_i32 = arith.constant 0 : i32
    %c0_i32_0 = arith.constant 0 : i32
    %c0_i32_1 = arith.constant 0 : i32
    return %c0_i32, %c0_i32_0 : i32, i32
  }
}

</mosaic_0001>

<sc_bundles>
// kernel: kernel.4.cloned.1.call-start
scs
__scs_entry_jumppad:
0x0: {  	(pc) =	sbr.rel $0x88, $3  }
0x1: {  	(tag) =	ssettag $0x0;
	lr =	simm.s32 $0x1  }
0x2: {  	[smem:$0x3F9F] =	sst lr;
	_ =	strace $0xD0000000  }
0x3: {  	_ = 	snop  }
0x4: {  	_ = 	snop  }
0x5: {  	_ = 	snop  }
0x6: {  	_ = 	snop  }
0x7: {  	_ = 	snop  }
__scs_overlays_trampoline_lowered:
0x8: {  	[smem:$0x3FAE] =	sst s0  }
0x9: {  	[smem:$0x3FAF] =	sst s1  }
0xa: {  	[smem:$0x3FB0] =	sst s2  }
0xb: {  	[smem:$0x3FB1] =	sst s3  }
0xc: {  	[smem:$0x3FB2] =	sst s4  }
0xd: {  	[smem:$0x3FB3] =	sst s5  }
0xe: {  	[smem:$0x3FB4] =	sst s6  }
0xf: {  	[smem:$0x3FB5] =	sst s7  }
0x10: {  	[smem:$0x3FB6] =	sst s8  }
0x11: {  	[smem:$0x3FB7] =	sst s9;
	s0 =	simm.s32 @!p0 $0x0  }
0x12: {  	s1 =	sld [smem:$0x3F9D];
	s0 =	simm.s32 @p0 $0x1  }
0x13: {  	[smem:$0x3FB8] =	sst s0;
	s0 =	simm.s32 @!p1 $0x0  }
0x14: {  	s2 =	sld [smem:$0x3F9C];
	s0 =	simm.s32 @p1 $0x1  }
0x15: {  	[smem:$0x3FB9] =	sst s0;
	s0 =	simm.s32 @!p2 $0x0  }
0x16: {  	s3 =	sld [smem:$0x3FDB];
	s0 =	simm.s32 @p2 $0x1  }
0x17: {  	s4 =	simm.s32 $0x1BF5;
	[smem:$0x3FBB] =	sst s0  }
0x18: {  	s0 =	sld [smem:$0x3F9E];
	_ =	swait.ge [sflag:s4], $0x0  }
0x19: {  	s7 =	sld [smem:$0x3F9F]  }
0x1a: {  	s8 =	sadd.s32 $0xFFFFE003, lr  }
0x1b: {  	s9 =	sadd.s32 $0xFFFFFEF7, lr;
	s5 =	simm.s32 $0xFFFFFFFF;
	p2 =	slt.u32 s8, $0xFFFFF086  }
0x1c: {  	p1 =	slt.u32 s9, $0xF7A;
	s5 =	simm.s32 @!p2 $0x0  }
0x1d: {  	s5 =	simm.s32 @p1 $0x1;
	p0 =	seq.s32 s7, s2  }
0x1e: {  	s7 =	smul.u32 @!p0 $0xF7A, s2;
	p2 =	seq.s32 @!p0 s5, $0x0  }
0x1f: {  	s9 =	smul.u32 $0xF7A, s1;
	s8 =	simm.s32 @!p0 $0x1BF5;
	p2 =	por !p2, p0  }
0x20: {  	[sflag:s8] =	ssyncset.s32 @!p0 $0xFFFFF086;
	s6 =	sadd.s32 @!p0 s3, s7;
	s7 =	simm.s32 @!p0 $0x108  }
0x21: {  	s3 =	sadd.s32 s3, s9;
	s6 =	sadd.s32 @!p0 $0x88, s6;
	s7 =	simm.s32 @p2 $0x1082  }
0x22: {  	[simem:s7], [sflag:s8] =	dma.local @!p0 [hbm:s6], $0xF7A  }
0x23: {  	s9 =	sor.u32 $0xD0000000, s2;
	s6 =	simm.s32 $0x108;
	_ =	swait.ge @!p0 [sflag:s8], $0x0  }
0x24: {  	s3 =	sadd.s32 $0x88, s3;
	s6 =	simm.s32 @!p1 $0x1082;
	[sflag:s4] =	ssyncset.s32 $0xFFFFF086  }
0x25: {  	[simem:s6], [sflag:s4] =	dma.local [hbm:s3], $0xF7A  }
0x26: {  	[smem:$0x3F9F] =	sst s1;
	(tag) =	ssettag s2;
	_ =	strace s9  }
0x27: {  	s1 =	sld [smem:$0x3FAF]  }
0x28: {  	s2 =	sld [smem:$0x3FB0]  }
0x29: {  	s4 =	sld [smem:$0x3FB2]  }
0x2a: {  	p0 =	seq.s32 s5, $0x0;
	s5 =	sld [smem:$0x3FB3]  }
0x2b: {  	s6 =	sld [smem:$0x3FB4]  }
0x2c: {  	s7 =	sld [smem:$0x3FB5]  }
0x2d: {  	s3 =	simm.s32 $0x108;
	s8 =	sld [smem:$0x3FB6]  }
0x2e: {  	s3 =	simm.s32 @!p0 $0x1082;
	s9 =	sld [smem:$0x3FB7]  }
0x2f: {  	lr =	sadd.s32 s0, s3;
	s0 =	sld [smem:$0x3FAE]  }
0x30: {  	s3 =	sld [smem:$0x3FB1]  }
0x31: {  	[smem:$0x3FBA] =	sst s10  }
0x32: {  	s10 =	sld [smem:$0x3FB8];
	_ =	sdelay $0x3  }
0x33: {  	p0 =	seq.s32 s10, $0x1;
	s10 =	sld [smem:$0x3FBA];
	_ =	sdelay $0x3  }
0x34: {  	[smem:$0x3FBA] =	sst s10  }
0x35: {  	s10 =	sld [smem:$0x3FB9];
	_ =	sdelay $0x3  }
0x36: {  	p1 =	seq.s32 s10, $0x1;
	s10 =	sld [smem:$0x3FBA];
	_ =	sdelay $0x3  }
0x37: {  	[smem:$0x3FBA] =	sst s10  }
0x38: {  	s10 =	sld [smem:$0x3FBB]  }
0x39: {  	_ = 	snop;
	(pc) =	sbr.ind lr, $3  }
0x3a: {  	_ = 	snop  }
0x3b: {  	_ = 	snop  }
0x3c: {  	p2 =	seq.s32 s10, $0x1;
	s10 =	sld [smem:$0x3FBA]  }
0x3d: {  	_ =	shalt  }
0x3e: {  	_ =	shalt  }
0x3f: {  	_ =	shalt  }
0x40: {  	_ =	shalt  }
0x41: {  	_ =	shalt  }
0x42: {  	_ =	shalt  }
0x43: {  	_ =	shalt  }
0x44: {  	_ =	shalt  }
0x45: {  	_ =	shalt  }
0x46: {  	_ =	shalt  }
0x47: {  	_ =	shalt  }
0x48: {  	_ =	shalt  }
0x49: {  	_ =	shalt  }
0x4a: {  	_ =	shalt  }
0x4b: {  	_ =	shalt  }
0x4c: {  	_ =	shalt  }
0x4d: {  	_ =	shalt  }
0x4e: {  	_ =	shalt  }
0x4f: {  	_ =	shalt  }
0x50: {  	_ =	shalt  }
0x51: {  	_ =	shalt  }
0x52: {  	_ =	shalt  }
0x53: {  	_ =	shalt  }
0x54: {  	_ =	shalt  }
0x55: {  	_ =	shalt  }
0x56: {  	_ =	shalt  }
0x57: {  	_ =	shalt  }
0x58: {  	_ =	shalt  }
0x59: {  	_ =	shalt  }
0x5a: {  	_ =	shalt  }
0x5b: {  	_ =	shalt  }
0x5c: {  	_ =	shalt  }
0x5d: {  	_ =	shalt  }
0x5e: {  	_ =	shalt  }
0x5f: {  	_ =	shalt  }
0x60: {  	_ =	shalt  }
0x61: {  	_ =	shalt  }
0x62: {  	_ =	shalt  }
0x63: {  	_ =	shalt  }
0x64: {  	_ =	shalt  }
0x65: {  	_ =	shalt  }
0x66: {  	_ =	shalt  }
0x67: {  	_ =	shalt  }
0x68: {  	_ =	shalt  }
0x69: {  	_ =	shalt  }
0x6a: {  	_ =	shalt  }
0x6b: {  	_ =	shalt  }
0x6c: {  	_ =	shalt  }
0x6d: {  	_ =	shalt  }
0x6e: {  	_ =	shalt  }
0x6f: {  	_ =	shalt  }
0x70: {  	_ =	shalt  }
0x71: {  	_ =	shalt  }
0x72: {  	_ =	shalt  }
0x73: {  	_ =	shalt  }
0x74: {  	_ =	shalt  }
0x75: {  	_ =	shalt  }
0x76: {  	_ =	shalt  }
0x77: {  	_ =	shalt  }
0x78: {  	_ =	shalt  }
0x79: {  	_ =	shalt  }
0x7a: {  	_ =	shalt  }
0x7b: {  	_ =	shalt  }
0x7c: {  	_ =	shalt  }
0x7d: {  	_ =	shalt  }
0x7e: {  	_ =	shalt  }
0x7f: {  	_ =	shalt  }
0x80: {  	_ =	shalt  }
0x81: {  	_ =	shalt  }
0x82: {  	_ =	shalt  }
0x83: {  	_ =	shalt  }
0x84: {  	_ =	shalt  }
0x85: {  	_ =	shalt  }
0x86: {  	_ =	shalt  }
0x87: {  	_ =	shalt  }
.Lfunc_end0:
.L_simem_size_0:
called_computation_lowered:
.L_overlay_start_0:
0x88: {  	s2 =	sld [smem:$0x3FD9]  }
0x89: {  	s3 =	sld [smem:$0x3FFE];
	_ =	sdelay $0x1  }
0x8a: {  	s1 =	srdreg.scid  }
0x8b: {  	s0 =	sand.u32 $0x1, s1  }
0x8c: {  	s14 =	sshll.u32 s0, $0xA;
	s2 =	sadd.s32 s3, s2  }
0x8d: {  	s2 =	sadd.s32 s2, s14  }
0x8e: {  	[smem:$0x3FC6] =	sst s2  }
0x8f: {  	_ = 	snop  }
0x90: {  	s2 =	sld [smem:$0x3FD0];
	_ =	sdelay $0x2  }
0x91: {  	s15 =	simm.s32 $0xA;
	s4 =	simm.s32 $0x10  }
0x92: {  	[smem:s4], [sflag:s15] =	dma.local [hbm:s2], $0x1  }
0x93: {  	_ =	swait.eq [sflag:s15], $0x1  }
0x94: {  	[sflag:s15] =	ssyncset.done $0x0  }
0x95: {  	s16 =	sld [smem:$0x10];
	[sflag:s15] =	ssyncadd.s32 $0xFFFFFFFF  }
0x96: {  	s17 =	sld [smem:$0x11];
	(tm) =	ssettm $0x1  }
0x97: {  	s18 =	sld [smem:$0x3FFB];
	_ =	sdelay $0x3  }
0x98: {  	_ =	strace s18  }
0x99: {  	s4 =	sld [smem:$0x3FFC];
	_ =	sdelay $0x3  }
0x9a: {  	_ =	strace s4  }
0x9b: {  	s4 =	sld [smem:$0x3FFD];
	_ =	sdelay $0x3  }
0x9c: {  	_ =	strace s4  }
0x9d: {  	_ =	strace $0x8FFFFFFF  }
0x9e: {  	s19 =	sld [smem:$0x3FDB];
	_ =	sdelay $0x1  }
0x9f: {  	s5 =	simm.s32 $_scs_section_size  }
0xa0: {  	s6 =	simm.s32 $_size__tile_overlayer_lowered;
	s7 =	simm.s32 $_tile_overlayer_lowered  }
0xa1: {  	s22 =	simm.s32 $0x1BFF;
	s21 =	sshll.u32 s7, $0x1;
	s4 =	sadd.s32 s5, s19  }
0xa2: {  	s8 =	simm.s32 $0x0;
	s20 =	sshll.u32 s6, $0x1;
	s6 =	sadd.s32 s21, s4  }
0xa3: {  	[timem:s8], [sflag:s22] =	dma.local [hbm:s6], s20  }
0xa4: {  	_ =	swait.ge [sflag:s22], s20  }
0xa5: {  	s5 =	ssub.s32 $0x0, s20;
	[sflag:s22] =	ssyncset.done $0x0  }
0xa6: {  	[sflag:s22] =	ssyncadd.s32 s5;
	_ =	sdelay $0x1  }
0xa7: {  	s23 =	simm.s32 $0x1B8B  }
0xa8: {  	_ =	swait.ge [sflag:s23], $0x1  }
0xa9: {  	[sflag:s23] =	ssyncset.done $0x0  }
0xaa: {  	s25 =	simm.s32 $0x1B8E;
	s24 =	sld [smem:$0x3FFE];
	[sflag:s23] =	ssyncadd.s32 $0xFFFFFFFF  }
0xab: {  	s26 =	simm.s32 $execute0_lowered;
	[smem:$0x3FD2] =	sst s25  }
0xac: {  	s6 =	sshll.u32 s26, $0x1;
	_ =	strace $0x80000046;
	[dreg:$0x1] =	wrdreg $0xFFFFFFFF  }
0xad: {  	s28 =	simm.s32 $_size_execute0_lowered;
	s4 =	sadd.s32 s4, s6;
	[dreg:$0x0] =	wrdreg $0x0  }
0xae: {  	s6 =	sshll.u32 s28, $0x1;
	[dreg:$0x2] =	wrdreg s4  }
0xaf: {  	[dreg:$0x3] =	wrdreg s6  }
0xb0: {  	[dreg:$0x4] =	wrdreg $0xC0  }
0xb1: {  	_ =	task [dreg:s8], $0x5FFFF  }
0xb2: {  	[dreg:$0x1] =	wrdreg $0xFFFFFFFF  }
0xb3: {  	[dreg:$0x0] =	wrdreg $0x60  }
0xb4: {  	[dreg:$0x2] =	wrdreg s24  }
0xb5: {  	[dreg:$0x3] =	wrdreg s17  }
0xb6: {  	[dreg:$0x4] =	wrdreg s16  }
0xb7: {  	[dreg:$0x5] =	wrdreg $0x9  }
0xb8: {  	_ =	task.clear_ibuf [dreg:s8], $0x6FFFF;
	_ =	strace $0x90000046  }
0xb9: {  	s29 =	simm.s32 $0x9;
	_ =	strace $0x80000048  }
0xba: {  	_ =	swait.ge [sflag:s29], $0x1  }
0xbb: {  	[sflag:s29] =	ssyncadd.s32 $0xFFFFFFFF  }
0xbc: {  	_ =	strace $0x90000048  }
0xbd: {  	_ =	sfence  }
0xbe: {  	s30 =	sld [smem:$0x0];
	_ =	sdelay $0x2  }
0xbf: {  	s31 =	sshll.u32 s1, $0xD;
	s1 =	sshrl.u32 s1, $0x2  }
0xc0: {  	s3 =	sand.u32 $0x4000, s31;
	s1 =	sadd.s32 s1, s30  }
0xc1: {  	s0 =	sor.u32 s3, s0;
	s1 =	sshll.u32 s1, $0x11  }
0xc2: {  	s0 =	sor.u32 s1, s0  }
0xc3: {  	s0 =	sadd.s32 $0x8F2B, s0  }
0xc4: {  	[sflag:s0] =	ssyncadd.remote.s32 $0x1  }
0xc5: {  	_ =	sfence.sel $0xFFFF  }
0xc6: {  	[dreg:$0x0] =	wrdreg $0xFFFFFFFF;
	(pc) =	sbr.abs _section_cstart, $3  }
0xc7: {  	[dreg:$0x1] =	wrdreg $0xFFFFFFFF  }
0xc8: {  	_ =	task.clear_ibuf [dreg:s8], $0x2FFFF;
	_ =	strace $0x9FFFFFFF  }
0xc9: {  	(tm) =	ssettm $0x7FFFFFFF  }
tec
execute0_lowered:
.L_overlay_start_1:
0x0: {  	(tag) =	ssettag $0x1  }
0x1: {  	s3 =	rddreg [dreg:$0x0]  }
0x2: {  	s1 =	srdreg.scid;
	s4 =	rddreg [dreg:$0x1]  }
0x3: {  	s0 =	stileid.u32;
	s8 =	rddreg [dreg:$0x2]  }
0x4: {  	s2 =	simm.s32 $0x0;
	s7 =	sand.u32 $0x1, s1;
	s1 =	rddreg [dreg:$0x3]  }
0x5: {  	s5 =	sshll.u32 s0, $0xA;
	[smem:$0x7FF] =	sst s2;
	s3 =	sadd.s32 $0x600, s3  }
0x6: {  	s6 =	sshll.u32 s7, $0x9;
	p1 =	seq.s32 s7, $0x1;
	_ =	strace $0x80000047  }
0x7: {  	s9 =	ssub.s32 $0x2, s7;
	s11 =	sshll.u32 s7, $0xF;
	s5 =	sor.u32 s6, s5  }
0x8: {  	s7 =	simm.s32 $0x200;
	s6 =	simm.s32 $0x1;
	p0 =	seq.s32 s5, $0x0  }
0x9: {  	s31 =	sshrl.u32 s9, $0x1;
	s5 =	sshrl.u32 s5, $0x3;
	p0 =	por !p0, !p1  }
0xa: {  	s4 =	sadd.s32 s4, s5;
	s5 =	simm.s32 $0x2;
	p0 =	por !p0, !p0  }
0xb: {  	[tilespmem:s2], [sflag:$0x2] =	stream.linear.gather [hbm4b:s4+s2], $0x200, $0x38;
	[tilespmem:$0x8200] =	vst v63  }
0xc: {  	s9 =	ssub.s32 s9, s31;
	s6 =	simm.s32 @!p0 $0x0;
	_ =	swait.ge [sflag:s5], $0x200  }
0xd: {  	s9 =	smax.u32 s9, $0x1;
	s10 =	ssub.s32 s0, s6;
	[sflag:s5] =	ssyncset.done $0x0  }
0xe: {  	s6 =	simm.s32 $0x1;
	s10 =	sshll.u32 s10, $0x10;
	[sflag:s5] =	ssyncadd.s32 $0xFFFFFE00  }
0xf: {  	[tilespmem:s7], [sflag:$0x1] =	stream.indirect.gather [hbm4b:s3+s7], $0x40, s2, s7, $0xb8;
	[tilespmem:$0x8200] =	vst v63  }
0x10: {  	p0 =	sne.s32 s9, $0x1;
	s10 =	sor.u32 s11, s10;
	_ =	swait.ge [sflag:s6], $0x8000  }
.Ltmp0:
0x11: {  	s10 =	sshrl.u32 s10, $0x3;
	[sflag:s6] =	ssyncset.done $0x0;
	(pc) =	sbr.rel @!p0 .LBB2_2-.Ltmp0, $4  }
0x12: {  	s8 =	sadd.s32 s8, s10;
	[sflag:s6] =	ssyncadd.s32 $0xFFFF8000  }
0x13: {  	[hbm4b:s8+s2] =	stream.linear.scatter [tilespmem:s7], [sflag:$0x2], $0x8000, $0x38;
	[tilespmem:$0x8200] =	vst v63  }
0x14: {  	_ =	swait.ge [sflag:s5], $0x8000  }
0x15: {  	s9 =	sadd.s32 $0xFFFFFFFF, s9;
	[sflag:s5] =	ssyncset.done $0x0  }
.LBB2_1:
0x16: {  	p0 =	sne.s32 s9, $0x1;
	s9 =	sadd.s32 $0xFFFFFFFF, s9;
	[sflag:s5] =	ssyncadd.s32 $0xFFFF8000  }
0x17: {  	[tilespmem:s2], [sflag:$0x2] =	stream.linear.gather [hbm4b:s4+s2], $0x200, $0x38;
	[tilespmem:$0x8200] =	vst v63  }
0x18: {  	_ =	swait.ge [sflag:s5], $0x200  }
0x19: {  	[sflag:s5] =	ssyncset.done $0x0  }
0x1a: {  	[sflag:s5] =	ssyncadd.s32 $0xFFFFFE00  }
0x1b: {  	[tilespmem:s7], [sflag:$0x1] =	stream.indirect.gather [hbm4b:s3+s7], $0x40, s2, s7, $0xb8;
	[tilespmem:$0x8200] =	vst v63  }
0x1c: {  	_ =	swait.ge [sflag:s6], $0x8000  }
.Ltmp1:
0x1d: {  	[sflag:s6] =	ssyncset.done $0x0;
	(pc) =	sbr.rel @p0 .LBB2_1-.Ltmp1, $4  }
0x1e: {  	[sflag:s6] =	ssyncadd.s32 $0xFFFF8000  }
0x1f: {  	[hbm4b:s8+s2] =	stream.linear.scatter [tilespmem:s7], [sflag:$0x2], $0x8000, $0x38;
	[tilespmem:$0x8200] =	vst v63  }
0x20: {  	_ =	swait.ge [sflag:s5], $0x8000  }
0x21: {  	[sflag:s5] =	ssyncset.done $0x0  }
.LBB2_2:
0x22: {  	[sflag:s5] =	ssyncadd.s32 $0xFFFF8000  }
0x23: {  	_ =	sfence.sel $0x180000  }
0x24: {  	[bflag:$0x0] =	sbarrier.arrive $0xFFFF  }
0x25: {  	p0 =	sne.s32 s0, $0x0;
	_ =	strace $0x90000047  }
0x26: {  	s0 =	sadd.s32 @!p0 $0x100000, s1;
	[bflag:$0x2] =	sbarrier.arrive $0xFFFF  }
0x27: {  	[sflag:s0] =	ssyncadd.tile.s32 @!p0 $0x1;
	_ =	shalt  }
.Lfunc_end2:
_tile_overlayer_lowered:
.L_overlay_start_2:
0x28: {  	(tag) =	ssettag $0x2  }
0x29: {  	s0 =	rddreg [dreg:$0x0];
	s2 =	stileid.u32  }
0x2a: {  	s1 =	rddreg [dreg:$0x1];
	p0 =	sne.s32 s2, $0x0  }
0x2b: {  	s3 =	rddreg [dreg:$0x2];
	[bflag:$0x3] =	sbarrier.arrive $0xFFFF;
	s2 =	simm.s32 @!p0 $0x1C02  }
0x2c: {  	[timem:s3], [sflag:s2] =	dma.local @!p0 [hbm:s0], s1  }
0x2d: {  	s0 =	simm.s32 @!p0 $0x2  }
0x2e: {  	_ =	swait.ge @!p0 [sflag:s0], s1  }
0x2f: {  	s1 =	ssub.s32 @!p0 $0x0, s1;
	[sflag:s0] =	ssyncset.done @!p0 $0x0  }
0x30: {  	[sflag:s0] =	ssyncadd.s32 @!p0 s1  }
0x31: {  	[bflag:$0x3] =	sbarrier.arrive $0xFFFF  }
0x32: {  	_ =	shalt  }

</sc_bundles>
